<compile_context>
chip_gen: v7x
topology: tpu7x:2x2x1
jax: 0.10.2.dev20260603
libtpu: 0.0.44.dev20260713+nightly
codegen_flags: <defaults>
</compile_context>

<pallas_src>
import functools

import jax
import jax.numpy as jnp
from jax import lax
from jax.experimental import pallas as pl
from jax.experimental.pallas import tpu as pltpu
from jax.experimental.pallas import tpu_sc as plsc

DIM = 64
NUM_WORKERS = 32
CHUNK = 128
LANES = 16


def _gather_body(table_hbm, idx_hbm, out_hbm, idx_v, gb_a, gb_b, *sems):
    n_chunk = idx_hbm.shape[0] // NUM_WORKERS
    gbuf = (gb_a, gb_b)
    gsem = sems[0:2]
    wsem = sems[2:4]

    wid = lax.axis_index("s") * 2 + lax.axis_index("c")
    base = wid * (n_chunk * CHUNK)
    pltpu.sync_copy(idx_hbm.at[pl.ds(wid * n_chunk, n_chunk)], idx_v)

    def gather(j, p):
        return pltpu.make_async_copy(table_hbm.at[idx_v.at[j]], gbuf[p], gsem[p])

    def write(j, p):
        dst = out_hbm.at[pl.ds(base + j * CHUNK, CHUNK)]
        return pltpu.make_async_copy(gbuf[p].at[:, pl.ds(0, DIM)], dst, wsem[p])

    def visit(j, p, first):
        gather(j, p).wait()
        write(j, p).start()
        write(0, p).wait()
        if True:
            gather(j + 2, p).start()

    gather(0, 0).start()
    gather(1, 1).start()
    visit(0, 0, True)
    visit(1, 1, True)

    def body(k, carry):
        for p in (0, 1):
            visit(2 * k + p, p, False)
        return carry

    lax.fori_loop(1, n_chunk // 2 - 1, body, 0)

    for j in (n_chunk - 2, n_chunk - 1):
        p = j % 2
        gather(j, p).wait()
        write(j, p).start()
        write(0, p).wait()


@jax.jit
def _run(idx, table_pad):
    n_total = idx.shape[0] * idx.shape[1]
    mesh = plsc.VectorSubcoreMesh(core_axis_name="c", subcore_axis_name="s")
    k = functools.partial(
        pl.kernel,
        mesh=mesh,
        compiler_params=pltpu.CompilerParams(use_tc_tiling_on_sc=False),
        out_type=jax.ShapeDtypeStruct((n_total, DIM), jnp.float32),
        scratch_types=[pltpu.VMEM((idx.shape[0] // NUM_WORKERS, CHUNK), jnp.int32)]
        + [pltpu.VMEM((CHUNK, 2 * DIM), jnp.float32) for _ in range(2)]
        + [pltpu.SemaphoreType.DMA for _ in range(4)],
    )(_gather_body)
    return k(table_pad, idx)


def kernel(input_data, embeddings_matrix):
    b, h = input_data.shape
    idx = input_data.astype(jnp.int32).reshape(b * h // CHUNK, CHUNK)
    table_pad = jnp.pad(embeddings_matrix, ((0, 0), (0, 2 * DIM - embeddings_matrix.shape[1])))
    out = _run(idx, table_pad)
    return out.reshape(b, h, DIM)

# --- scband reference (transcript-rebuilt; emitter-appended) ---
"""Pipeline reference for scband-embeddings-model-33363305955888 (READ-ONLY COPY).

The authoritative reference and input builder live on the scoring server;
editing this copy changes nothing except your own understanding.
"""

import jax, jax.numpy as jnp
import numpy as np

NUM_EMBEDDINGS = 1000000
EMBEDDING_DIM = 64
BATCH = 4096
HIST_LEN = 50


def setup_inputs(seed: int = 0) -> dict:
    key = jax.random.key(seed)
    k_idx, k_tab = jax.random.split(key)
    input_data = jax.random.randint(k_idx, (BATCH, HIST_LEN), 0, NUM_EMBEDDINGS, dtype=jnp.int64 if jax.config.jax_enable_x64 else jnp.int32)
    embeddings_matrix = jax.random.normal(k_tab, (NUM_EMBEDDINGS, EMBEDDING_DIM), dtype=jnp.float32)
    return {"input_data": input_data, "embeddings_matrix": embeddings_matrix}


def reference(input_data, embeddings_matrix):
    # Faithful translation of Keras Embedding(vocab, dim)(input_data):
    # a pure gather of rows from the embeddings matrix.
    return jnp.take(embeddings_matrix, input_data, axis=0)

if __name__ == "__main__":
    import jax
    _d = setup_inputs()
    print(jax.jit(kernel)(*tuple(_d.values())))

</pallas_src>

<mosaic_0001>
#map = affine_map<(d0, d1) -> (0, 0)>
module attributes {stable_mosaic.version = 14 : i64} {
  func.func @_gather_body(%arg0: i32, %arg1: i32, %arg2: memref<1000000x128xf32, #tpu.memory_space<hbm>>, %arg3: memref<1600x128xi32, #tpu.memory_space<hbm>>, %arg4: memref<204800x64xf32, #tpu.memory_space<hbm>>, %arg5: memref<50x128xi32, #tpu.memory_space<vmem>>, %arg6: memref<128x128xf32, #tpu.memory_space<vmem>>, %arg7: memref<128x128xf32, #tpu.memory_space<vmem>>, %arg8: memref<!tpu.dma_semaphore, #tpu.memory_space<semaphore_mem>>, %arg9: memref<!tpu.dma_semaphore, #tpu.memory_space<semaphore_mem>>, %arg10: memref<!tpu.dma_semaphore, #tpu.memory_space<semaphore_mem>>, %arg11: memref<!tpu.dma_semaphore, #tpu.memory_space<semaphore_mem>>) attributes {dimension_semantics = [#tpu.dimension_semantics<core_parallel>, #tpu.dimension_semantics<subcore_parallel>], iteration_bounds = array<i64: 2, 16>, scalar_prefetch = 0 : i64, scratch_operands = 7 : i64, tpu.core_type = #tpu.core_type<sc_vector_subcore>, window_params = [{transform_indices = #map}, {transform_indices = #map}, {transform_indices = #map}]} {
    %mul3A = arith.constant 2 : i32
    %mul3A_0 = arith.muli %arg1, %mul3A : i32
    %add3A = arith.addi %mul3A_0, %arg0 : i32
    %mul3A_1 = arith.constant 6400 : i32
    %mul3A_2 = arith.muli %add3A, %mul3A_1 : i32
    %mul3A_3 = arith.constant 50 : i32
    %mul3A_4 = arith.muli %add3A, %mul3A_3 : i32
    "tpu.region"() ({
      %run_scoped3A = tpu.sem_alloc : memref<!tpu.dma_semaphore, #tpu.memory_space<semaphore_mem>>
      %dma_start3A_160 = arith.constant 0 : i32
      %dma_start3A_161 = tpu.memref_slice %arg3[%mul3A_4, %dma_start3A_160] : memref<1600x128xi32, #tpu.memory_space<hbm>> -> memref<50x128xi32, #tpu.memory_space<hbm>>
      %dma_start3A_162 = arith.constant 0 : i32
      %dma_start3A_163 = tpu.memref_slice %arg3[%mul3A_4, %dma_start3A_162] : memref<1600x128xi32, #tpu.memory_space<hbm>> -> memref<50x128xi32, #tpu.memory_space<hbm>>
      tpu.enqueue_dma source(%dma_start3A_163 : memref<50x128xi32, #tpu.memory_space<hbm>>) target(%arg5 : memref<50x128xi32, #tpu.memory_space<vmem>>) target_semaphore(%run_scoped3A : memref<!tpu.dma_semaphore, #tpu.memory_space<semaphore_mem>>)
      %dma_wait3A_164 = arith.constant 0 : i32
      %dma_wait3A_165 = tpu.memref_slice %arg3[%mul3A_4, %dma_wait3A_164] : memref<1600x128xi32, #tpu.memory_space<hbm>> -> memref<50x128xi32, #tpu.memory_space<hbm>>
      %dma_wait3A_166 = arith.constant 0 : i32
      %dma_wait3A_167 = tpu.memref_slice %arg3[%mul3A_4, %dma_wait3A_166] : memref<1600x128xi32, #tpu.memory_space<hbm>> -> memref<50x128xi32, #tpu.memory_space<hbm>>
      tpu.wait_dma2 semaphore(%run_scoped3A : memref<!tpu.dma_semaphore, #tpu.memory_space<semaphore_mem>>) src(%dma_wait3A_167 : memref<50x128xi32, #tpu.memory_space<hbm>>) dst(%arg5 : memref<50x128xi32, #tpu.memory_space<vmem>>)
      tpu.yield
    }) : () -> ()
    %dma_start3A = arith.constant 0 : i32
    %dma_start3A_5 = arith.constant 0 : i32
    %dma_start3A_6 = tpu.memref_slice %arg5[%dma_start3A, %dma_start3A_5] : memref<50x128xi32, #tpu.memory_space<vmem>> -> memref<1x128xi32, #tpu.memory_space<vmem>>
    %dma_start3A_7 = tpu.memref_squeeze %dma_start3A_6 : memref<1x128xi32, #tpu.memory_space<vmem>> -> memref<128xi32, #tpu.memory_space<vmem>>
    %dma_start3A_8 = arith.constant 0 : i32
    %dma_start3A_9 = arith.constant 0 : i32
    %dma_start3A_10 = tpu.memref_slice %arg2[%dma_start3A_8, %dma_start3A_9] : memref<1000000x128xf32, #tpu.memory_space<hbm>> -> memref<1000000x128xf32, #tpu.memory_space<hbm>>
    tpu.enqueue_indirect_dma source(%dma_start3A_10 : memref<1000000x128xf32, #tpu.memory_space<hbm>>) target(%arg6 : memref<128x128xf32, #tpu.memory_space<vmem>>) offsets(%dma_start3A_7 : memref<128xi32, #tpu.memory_space<vmem>>) semaphore(%arg8 : memref<!tpu.dma_semaphore, #tpu.memory_space<semaphore_mem>>)
    %dma_start3A_11 = arith.constant 1 : i32
    %dma_start3A_12 = arith.constant 0 : i32
    %dma_start3A_13 = tpu.memref_slice %arg5[%dma_start3A_11, %dma_start3A_12] : memref<50x128xi32, #tpu.memory_space<vmem>> -> memref<1x128xi32, #tpu.memory_space<vmem>>
    %dma_start3A_14 = tpu.memref_squeeze %dma_start3A_13 : memref<1x128xi32, #tpu.memory_space<vmem>> -> memref<128xi32, #tpu.memory_space<vmem>>
    %dma_start3A_15 = arith.constant 0 : i32
    %dma_start3A_16 = arith.constant 0 : i32
    %dma_start3A_17 = tpu.memref_slice %arg2[%dma_start3A_15, %dma_start3A_16] : memref<1000000x128xf32, #tpu.memory_space<hbm>> -> memref<1000000x128xf32, #tpu.memory_space<hbm>>
    tpu.enqueue_indirect_dma source(%dma_start3A_17 : memref<1000000x128xf32, #tpu.memory_space<hbm>>) target(%arg7 : memref<128x128xf32, #tpu.memory_space<vmem>>) offsets(%dma_start3A_14 : memref<128xi32, #tpu.memory_space<vmem>>) semaphore(%arg9 : memref<!tpu.dma_semaphore, #tpu.memory_space<semaphore_mem>>)
    %dma_wait3A = arith.constant 0 : i32
    %dma_wait3A_18 = arith.constant 0 : i32
    %dma_wait3A_19 = tpu.memref_slice %arg5[%dma_wait3A, %dma_wait3A_18] : memref<50x128xi32, #tpu.memory_space<vmem>> -> memref<1x128xi32, #tpu.memory_space<vmem>>
    %dma_wait3A_20 = tpu.memref_squeeze %dma_wait3A_19 : memref<1x128xi32, #tpu.memory_space<vmem>> -> memref<128xi32, #tpu.memory_space<vmem>>
    %dma_wait3A_21 = arith.constant 0 : i32
    %dma_wait3A_22 = arith.constant 0 : i32
    %dma_wait3A_23 = tpu.memref_slice %arg2[%dma_wait3A_21, %dma_wait3A_22] : memref<1000000x128xf32, #tpu.memory_space<hbm>> -> memref<1000000x128xf32, #tpu.memory_space<hbm>>
    tpu.wait_indirect_dma semaphore(%arg8 : memref<!tpu.dma_semaphore, #tpu.memory_space<semaphore_mem>>) src(%dma_wait3A_23 : memref<1000000x128xf32, #tpu.memory_space<hbm>>) dst(%arg6 : memref<128x128xf32, #tpu.memory_space<vmem>>)
    %add3A_24 = arith.constant 0 : i32
    %add3A_25 = arith.addi %mul3A_2, %add3A_24 : i32
    %dma_start3A_26 = arith.constant 0 : i32
    %dma_start3A_27 = arith.constant 0 : i32
    %dma_start3A_28 = tpu.memref_slice %arg6[%dma_start3A_26, %dma_start3A_27] : memref<128x128xf32, #tpu.memory_space<vmem>> -> memref<128x64xf32, #tpu.memory_space<vmem>>
    %dma_start3A_29 = arith.constant 0 : i32
    %dma_start3A_30 = tpu.memref_slice %arg4[%add3A_25, %dma_start3A_29] : memref<204800x64xf32, #tpu.memory_space<hbm>> -> memref<128x64xf32, #tpu.memory_space<hbm>>
    %dma_start3A_31 = arith.constant 0 : i32
    %dma_start3A_32 = tpu.memref_slice %arg4[%add3A_25, %dma_start3A_31] : memref<204800x64xf32, #tpu.memory_space<hbm>> -> memref<128x64xf32, #tpu.memory_space<hbm>>
    %dma_start3A_33 = arith.constant 0 : i32
    %dma_start3A_34 = arith.constant 0 : i32
    %dma_start3A_35 = tpu.memref_slice %arg6[%dma_start3A_33, %dma_start3A_34] : memref<128x128xf32, #tpu.memory_space<vmem>> -> memref<128x64xf32, #tpu.memory_space<vmem>>
    tpu.enqueue_dma source(%dma_start3A_35 : memref<128x64xf32, #tpu.memory_space<vmem>>) target(%dma_start3A_32 : memref<128x64xf32, #tpu.memory_space<hbm>>) target_semaphore(%arg10 : memref<!tpu.dma_semaphore, #tpu.memory_space<semaphore_mem>>)
    %add3A_36 = arith.constant 0 : i32
    %add3A_37 = arith.addi %mul3A_2, %add3A_36 : i32
    %dma_wait3A_38 = arith.constant 0 : i32
    %dma_wait3A_39 = arith.constant 0 : i32
    %dma_wait3A_40 = tpu.memref_slice %arg6[%dma_wait3A_38, %dma_wait3A_39] : memref<128x128xf32, #tpu.memory_space<vmem>> -> memref<128x64xf32, #tpu.memory_space<vmem>>
    %dma_wait3A_41 = arith.constant 0 : i32
    %dma_wait3A_42 = tpu.memref_slice %arg4[%add3A_37, %dma_wait3A_41] : memref<204800x64xf32, #tpu.memory_space<hbm>> -> memref<128x64xf32, #tpu.memory_space<hbm>>
    %dma_wait3A_43 = arith.constant 0 : i32
    %dma_wait3A_44 = tpu.memref_slice %arg4[%add3A_37, %dma_wait3A_43] : memref<204800x64xf32, #tpu.memory_space<hbm>> -> memref<128x64xf32, #tpu.memory_space<hbm>>
    %dma_wait3A_45 = arith.constant 0 : i32
    %dma_wait3A_46 = arith.constant 0 : i32
    %dma_wait3A_47 = tpu.memref_slice %arg6[%dma_wait3A_45, %dma_wait3A_46] : memref<128x128xf32, #tpu.memory_space<vmem>> -> memref<128x64xf32, #tpu.memory_space<vmem>>
    tpu.wait_dma2 semaphore(%arg10 : memref<!tpu.dma_semaphore, #tpu.memory_space<semaphore_mem>>) src(%dma_wait3A_47 : memref<128x64xf32, #tpu.memory_space<vmem>>) dst(%dma_wait3A_44 : memref<128x64xf32, #tpu.memory_space<hbm>>)
    %dma_start3A_48 = arith.constant 2 : i32
    %dma_start3A_49 = arith.constant 0 : i32
    %dma_start3A_50 = tpu.memref_slice %arg5[%dma_start3A_48, %dma_start3A_49] : memref<50x128xi32, #tpu.memory_space<vmem>> -> memref<1x128xi32, #tpu.memory_space<vmem>>
    %dma_start3A_51 = tpu.memref_squeeze %dma_start3A_50 : memref<1x128xi32, #tpu.memory_space<vmem>> -> memref<128xi32, #tpu.memory_space<vmem>>
    %dma_start3A_52 = arith.constant 0 : i32
    %dma_start3A_53 = arith.constant 0 : i32
    %dma_start3A_54 = tpu.memref_slice %arg2[%dma_start3A_52, %dma_start3A_53] : memref<1000000x128xf32, #tpu.memory_space<hbm>> -> memref<1000000x128xf32, #tpu.memory_space<hbm>>
    tpu.enqueue_indirect_dma source(%dma_start3A_54 : memref<1000000x128xf32, #tpu.memory_space<hbm>>) target(%arg6 : memref<128x128xf32, #tpu.memory_space<vmem>>) offsets(%dma_start3A_51 : memref<128xi32, #tpu.memory_space<vmem>>) semaphore(%arg8 : memref<!tpu.dma_semaphore, #tpu.memory_space<semaphore_mem>>)
    %dma_wait3A_55 = arith.constant 1 : i32
    %dma_wait3A_56 = arith.constant 0 : i32
    %dma_wait3A_57 = tpu.memref_slice %arg5[%dma_wait3A_55, %dma_wait3A_56] : memref<50x128xi32, #tpu.memory_space<vmem>> -> memref<1x128xi32, #tpu.memory_space<vmem>>
    %dma_wait3A_58 = tpu.memref_squeeze %dma_wait3A_57 : memref<1x128xi32, #tpu.memory_space<vmem>> -> memref<128xi32, #tpu.memory_space<vmem>>
    %dma_wait3A_59 = arith.constant 0 : i32
    %dma_wait3A_60 = arith.constant 0 : i32
    %dma_wait3A_61 = tpu.memref_slice %arg2[%dma_wait3A_59, %dma_wait3A_60] : memref<1000000x128xf32, #tpu.memory_space<hbm>> -> memref<1000000x128xf32, #tpu.memory_space<hbm>>
    tpu.wait_indirect_dma semaphore(%arg9 : memref<!tpu.dma_semaphore, #tpu.memory_space<semaphore_mem>>) src(%dma_wait3A_61 : memref<1000000x128xf32, #tpu.memory_space<hbm>>) dst(%arg7 : memref<128x128xf32, #tpu.memory_space<vmem>>)
    %add3A_62 = arith.constant 128 : i32
    %add3A_63 = arith.addi %mul3A_2, %add3A_62 : i32
    %dma_start3A_64 = arith.constant 0 : i32
    %dma_start3A_65 = arith.constant 0 : i32
    %dma_start3A_66 = tpu.memref_slice %arg7[%dma_start3A_64, %dma_start3A_65] : memref<128x128xf32, #tpu.memory_space<vmem>> -> memref<128x64xf32, #tpu.memory_space<vmem>>
    %dma_start3A_67 = arith.constant 0 : i32
    %dma_start3A_68 = tpu.memref_slice %arg4[%add3A_63, %dma_start3A_67] : memref<204800x64xf32, #tpu.memory_space<hbm>> -> memref<128x64xf32, #tpu.memory_space<hbm>>
    %dma_start3A_69 = arith.constant 0 : i32
    %dma_start3A_70 = tpu.memref_slice %arg4[%add3A_63, %dma_start3A_69] : memref<204800x64xf32, #tpu.memory_space<hbm>> -> memref<128x64xf32, #tpu.memory_space<hbm>>
    %dma_start3A_71 = arith.constant 0 : i32
    %dma_start3A_72 = arith.constant 0 : i32
    %dma_start3A_73 = tpu.memref_slice %arg7[%dma_start3A_71, %dma_start3A_72] : memref<128x128xf32, #tpu.memory_space<vmem>> -> memref<128x64xf32, #tpu.memory_space<vmem>>
    tpu.enqueue_dma source(%dma_start3A_73 : memref<128x64xf32, #tpu.memory_space<vmem>>) target(%dma_start3A_70 : memref<128x64xf32, #tpu.memory_space<hbm>>) target_semaphore(%arg11 : memref<!tpu.dma_semaphore, #tpu.memory_space<semaphore_mem>>)
    %add3A_74 = arith.constant 0 : i32
    %add3A_75 = arith.addi %mul3A_2, %add3A_74 : i32
    %dma_wait3A_76 = arith.constant 0 : i32
    %dma_wait3A_77 = arith.constant 0 : i32
    %dma_wait3A_78 = tpu.memref_slice %arg7[%dma_wait3A_76, %dma_wait3A_77] : memref<128x128xf32, #tpu.memory_space<vmem>> -> memref<128x64xf32, #tpu.memory_space<vmem>>
    %dma_wait3A_79 = arith.constant 0 : i32
    %dma_wait3A_80 = tpu.memref_slice %arg4[%add3A_75, %dma_wait3A_79] : memref<204800x64xf32, #tpu.memory_space<hbm>> -> memref<128x64xf32, #tpu.memory_space<hbm>>
    %dma_wait3A_81 = arith.constant 0 : i32
    %dma_wait3A_82 = tpu.memref_slice %arg4[%add3A_75, %dma_wait3A_81] : memref<204800x64xf32, #tpu.memory_space<hbm>> -> memref<128x64xf32, #tpu.memory_space<hbm>>
    %dma_wait3A_83 = arith.constant 0 : i32
    %dma_wait3A_84 = arith.constant 0 : i32
    %dma_wait3A_85 = tpu.memref_slice %arg7[%dma_wait3A_83, %dma_wait3A_84] : memref<128x128xf32, #tpu.memory_space<vmem>> -> memref<128x64xf32, #tpu.memory_space<vmem>>
    tpu.wait_dma2 semaphore(%arg11 : memref<!tpu.dma_semaphore, #tpu.memory_space<semaphore_mem>>) src(%dma_wait3A_85 : memref<128x64xf32, #tpu.memory_space<vmem>>) dst(%dma_wait3A_82 : memref<128x64xf32, #tpu.memory_space<hbm>>)
    %dma_start3A_86 = arith.constant 3 : i32
    %dma_start3A_87 = arith.constant 0 : i32
    %dma_start3A_88 = tpu.memref_slice %arg5[%dma_start3A_86, %dma_start3A_87] : memref<50x128xi32, #tpu.memory_space<vmem>> -> memref<1x128xi32, #tpu.memory_space<vmem>>
    %dma_start3A_89 = tpu.memref_squeeze %dma_start3A_88 : memref<1x128xi32, #tpu.memory_space<vmem>> -> memref<128xi32, #tpu.memory_space<vmem>>
    %dma_start3A_90 = arith.constant 0 : i32
    %dma_start3A_91 = arith.constant 0 : i32
    %dma_start3A_92 = tpu.memref_slice %arg2[%dma_start3A_90, %dma_start3A_91] : memref<1000000x128xf32, #tpu.memory_space<hbm>> -> memref<1000000x128xf32, #tpu.memory_space<hbm>>
    tpu.enqueue_indirect_dma source(%dma_start3A_92 : memref<1000000x128xf32, #tpu.memory_space<hbm>>) target(%arg7 : memref<128x128xf32, #tpu.memory_space<vmem>>) offsets(%dma_start3A_89 : memref<128xi32, #tpu.memory_space<vmem>>) semaphore(%arg9 : memref<!tpu.dma_semaphore, #tpu.memory_space<semaphore_mem>>)
    %scan3A = arith.constant 0 : i32
    %scan3A_93 = arith.constant 1 : i32
    %scan3A_94 = arith.constant 23 : i32
    %scan3A_95 = arith.addi %scan3A_93, %scan3A_94 : i32
    %scan3A_96 = arith.constant 1 : i32
    scf.for %scan3A_160 = %scan3A_93 to %scan3A_95 step %scan3A_96  : i32 {
      %mul3A_161 = arith.constant 2 : i32
      %mul3A_162 = arith.muli %mul3A_161, %scan3A_160 : i32
      %add3A_163 = arith.constant 0 : i32
      %add3A_164 = arith.addi %mul3A_162, %add3A_163 : i32
      %dma_wait3A_165 = arith.constant 0 : i32
      %dma_wait3A_166 = tpu.memref_slice %arg5[%add3A_164, %dma_wait3A_165] : memref<50x128xi32, #tpu.memory_space<vmem>> -> memref<1x128xi32, #tpu.memory_space<vmem>>
      %dma_wait3A_167 = tpu.memref_squeeze %dma_wait3A_166 : memref<1x128xi32, #tpu.memory_space<vmem>> -> memref<128xi32, #tpu.memory_space<vmem>>
      %dma_wait3A_168 = arith.constant 0 : i32
      %dma_wait3A_169 = arith.constant 0 : i32
      %dma_wait3A_170 = tpu.memref_slice %arg2[%dma_wait3A_168, %dma_wait3A_169] : memref<1000000x128xf32, #tpu.memory_space<hbm>> -> memref<1000000x128xf32, #tpu.memory_space<hbm>>
      tpu.wait_indirect_dma semaphore(%arg8 : memref<!tpu.dma_semaphore, #tpu.memory_space<semaphore_mem>>) src(%dma_wait3A_170 : memref<1000000x128xf32, #tpu.memory_space<hbm>>) dst(%arg6 : memref<128x128xf32, #tpu.memory_space<vmem>>)
      %mul3A_171 = arith.constant 128 : i32
      %mul3A_172 = arith.muli %add3A_164, %mul3A_171 : i32
      %add3A_173 = arith.addi %mul3A_2, %mul3A_172 : i32
      %dma_start3A_174 = arith.constant 0 : i32
      %dma_start3A_175 = arith.constant 0 : i32
      %dma_start3A_176 = tpu.memref_slice %arg6[%dma_start3A_174, %dma_start3A_175] : memref<128x128xf32, #tpu.memory_space<vmem>> -> memref<128x64xf32, #tpu.memory_space<vmem>>
      %dma_start3A_177 = arith.constant 0 : i32
      %dma_start3A_178 = tpu.memref_slice %arg4[%add3A_173, %dma_start3A_177] : memref<204800x64xf32, #tpu.memory_space<hbm>> -> memref<128x64xf32, #tpu.memory_space<hbm>>
      %dma_start3A_179 = arith.constant 0 : i32
      %dma_start3A_180 = tpu.memref_slice %arg4[%add3A_173, %dma_start3A_179] : memref<204800x64xf32, #tpu.memory_space<hbm>> -> memref<128x64xf32, #tpu.memory_space<hbm>>
      %dma_start3A_181 = arith.constant 0 : i32
      %dma_start3A_182 = arith.constant 0 : i32
      %dma_start3A_183 = tpu.memref_slice %arg6[%dma_start3A_181, %dma_start3A_182] : memref<128x128xf32, #tpu.memory_space<vmem>> -> memref<128x64xf32, #tpu.memory_space<vmem>>
      tpu.enqueue_dma source(%dma_start3A_183 : memref<128x64xf32, #tpu.memory_space<vmem>>) target(%dma_start3A_180 : memref<128x64xf32, #tpu.memory_space<hbm>>) target_semaphore(%arg10 : memref<!tpu.dma_semaphore, #tpu.memory_space<semaphore_mem>>)
      %add3A_184 = arith.constant 0 : i32
      %add3A_185 = arith.addi %mul3A_2, %add3A_184 : i32
      %dma_wait3A_186 = arith.constant 0 : i32
      %dma_wait3A_187 = arith.constant 0 : i32
      %dma_wait3A_188 = tpu.memref_slice %arg6[%dma_wait3A_186, %dma_wait3A_187] : memref<128x128xf32, #tpu.memory_space<vmem>> -> memref<128x64xf32, #tpu.memory_space<vmem>>
      %dma_wait3A_189 = arith.constant 0 : i32
      %dma_wait3A_190 = tpu.memref_slice %arg4[%add3A_185, %dma_wait3A_189] : memref<204800x64xf32, #tpu.memory_space<hbm>> -> memref<128x64xf32, #tpu.memory_space<hbm>>
      %dma_wait3A_191 = arith.constant 0 : i32
      %dma_wait3A_192 = tpu.memref_slice %arg4[%add3A_185, %dma_wait3A_191] : memref<204800x64xf32, #tpu.memory_space<hbm>> -> memref<128x64xf32, #tpu.memory_space<hbm>>
      %dma_wait3A_193 = arith.constant 0 : i32
      %dma_wait3A_194 = arith.constant 0 : i32
      %dma_wait3A_195 = tpu.memref_slice %arg6[%dma_wait3A_193, %dma_wait3A_194] : memref<128x128xf32, #tpu.memory_space<vmem>> -> memref<128x64xf32, #tpu.memory_space<vmem>>
      tpu.wait_dma2 semaphore(%arg10 : memref<!tpu.dma_semaphore, #tpu.memory_space<semaphore_mem>>) src(%dma_wait3A_195 : memref<128x64xf32, #tpu.memory_space<vmem>>) dst(%dma_wait3A_192 : memref<128x64xf32, #tpu.memory_space<hbm>>)
      %add3A_196 = arith.constant 2 : i32
      %add3A_197 = arith.addi %add3A_164, %add3A_196 : i32
      %dma_start3A_198 = arith.constant 0 : i32
      %dma_start3A_199 = tpu.memref_slice %arg5[%add3A_197, %dma_start3A_198] : memref<50x128xi32, #tpu.memory_space<vmem>> -> memref<1x128xi32, #tpu.memory_space<vmem>>
      %dma_start3A_200 = tpu.memref_squeeze %dma_start3A_199 : memref<1x128xi32, #tpu.memory_space<vmem>> -> memref<128xi32, #tpu.memory_space<vmem>>
      %dma_start3A_201 = arith.constant 0 : i32
      %dma_start3A_202 = arith.constant 0 : i32
      %dma_start3A_203 = tpu.memref_slice %arg2[%dma_start3A_201, %dma_start3A_202] : memref<1000000x128xf32, #tpu.memory_space<hbm>> -> memref<1000000x128xf32, #tpu.memory_space<hbm>>
      tpu.enqueue_indirect_dma source(%dma_start3A_203 : memref<1000000x128xf32, #tpu.memory_space<hbm>>) target(%arg6 : memref<128x128xf32, #tpu.memory_space<vmem>>) offsets(%dma_start3A_200 : memref<128xi32, #tpu.memory_space<vmem>>) semaphore(%arg8 : memref<!tpu.dma_semaphore, #tpu.memory_space<semaphore_mem>>)
      %mul3A_204 = arith.constant 2 : i32
      %mul3A_205 = arith.muli %mul3A_204, %scan3A_160 : i32
      %add3A_206 = arith.constant 1 : i32
      %add3A_207 = arith.addi %mul3A_205, %add3A_206 : i32
      %dma_wait3A_208 = arith.constant 0 : i32
      %dma_wait3A_209 = tpu.memref_slice %arg5[%add3A_207, %dma_wait3A_208] : memref<50x128xi32, #tpu.memory_space<vmem>> -> memref<1x128xi32, #tpu.memory_space<vmem>>
      %dma_wait3A_210 = tpu.memref_squeeze %dma_wait3A_209 : memref<1x128xi32, #tpu.memory_space<vmem>> -> memref<128xi32, #tpu.memory_space<vmem>>
      %dma_wait3A_211 = arith.constant 0 : i32
      %dma_wait3A_212 = arith.constant 0 : i32
      %dma_wait3A_213 = tpu.memref_slice %arg2[%dma_wait3A_211, %dma_wait3A_212] : memref<1000000x128xf32, #tpu.memory_space<hbm>> -> memref<1000000x128xf32, #tpu.memory_space<hbm>>
      tpu.wait_indirect_dma semaphore(%arg9 : memref<!tpu.dma_semaphore, #tpu.memory_space<semaphore_mem>>) src(%dma_wait3A_213 : memref<1000000x128xf32, #tpu.memory_space<hbm>>) dst(%arg7 : memref<128x128xf32, #tpu.memory_space<vmem>>)
      %mul3A_214 = arith.constant 128 : i32
      %mul3A_215 = arith.muli %add3A_207, %mul3A_214 : i32
      %add3A_216 = arith.addi %mul3A_2, %mul3A_215 : i32
      %dma_start3A_217 = arith.constant 0 : i32
      %dma_start3A_218 = arith.constant 0 : i32
      %dma_start3A_219 = tpu.memref_slice %arg7[%dma_start3A_217, %dma_start3A_218] : memref<128x128xf32, #tpu.memory_space<vmem>> -> memref<128x64xf32, #tpu.memory_space<vmem>>
      %dma_start3A_220 = arith.constant 0 : i32
      %dma_start3A_221 = tpu.memref_slice %arg4[%add3A_216, %dma_start3A_220] : memref<204800x64xf32, #tpu.memory_space<hbm>> -> memref<128x64xf32, #tpu.memory_space<hbm>>
      %dma_start3A_222 = arith.constant 0 : i32
      %dma_start3A_223 = tpu.memref_slice %arg4[%add3A_216, %dma_start3A_222] : memref<204800x64xf32, #tpu.memory_space<hbm>> -> memref<128x64xf32, #tpu.memory_space<hbm>>
      %dma_start3A_224 = arith.constant 0 : i32
      %dma_start3A_225 = arith.constant 0 : i32
      %dma_start3A_226 = tpu.memref_slice %arg7[%dma_start3A_224, %dma_start3A_225] : memref<128x128xf32, #tpu.memory_space<vmem>> -> memref<128x64xf32, #tpu.memory_space<vmem>>
      tpu.enqueue_dma source(%dma_start3A_226 : memref<128x64xf32, #tpu.memory_space<vmem>>) target(%dma_start3A_223 : memref<128x64xf32, #tpu.memory_space<hbm>>) target_semaphore(%arg11 : memref<!tpu.dma_semaphore, #tpu.memory_space<semaphore_mem>>)
      %add3A_227 = arith.constant 0 : i32
      %add3A_228 = arith.addi %mul3A_2, %add3A_227 : i32
      %dma_wait3A_229 = arith.constant 0 : i32
      %dma_wait3A_230 = arith.constant 0 : i32
      %dma_wait3A_231 = tpu.memref_slice %arg7[%dma_wait3A_229, %dma_wait3A_230] : memref<128x128xf32, #tpu.memory_space<vmem>> -> memref<128x64xf32, #tpu.memory_space<vmem>>
      %dma_wait3A_232 = arith.constant 0 : i32
      %dma_wait3A_233 = tpu.memref_slice %arg4[%add3A_228, %dma_wait3A_232] : memref<204800x64xf32, #tpu.memory_space<hbm>> -> memref<128x64xf32, #tpu.memory_space<hbm>>
      %dma_wait3A_234 = arith.constant 0 : i32
      %dma_wait3A_235 = tpu.memref_slice %arg4[%add3A_228, %dma_wait3A_234] : memref<204800x64xf32, #tpu.memory_space<hbm>> -> memref<128x64xf32, #tpu.memory_space<hbm>>
      %dma_wait3A_236 = arith.constant 0 : i32
      %dma_wait3A_237 = arith.constant 0 : i32
      %dma_wait3A_238 = tpu.memref_slice %arg7[%dma_wait3A_236, %dma_wait3A_237] : memref<128x128xf32, #tpu.memory_space<vmem>> -> memref<128x64xf32, #tpu.memory_space<vmem>>
      tpu.wait_dma2 semaphore(%arg11 : memref<!tpu.dma_semaphore, #tpu.memory_space<semaphore_mem>>) src(%dma_wait3A_238 : memref<128x64xf32, #tpu.memory_space<vmem>>) dst(%dma_wait3A_235 : memref<128x64xf32, #tpu.memory_space<hbm>>)
      %add3A_239 = arith.constant 2 : i32
      %add3A_240 = arith.addi %add3A_207, %add3A_239 : i32
      %dma_start3A_241 = arith.constant 0 : i32
      %dma_start3A_242 = tpu.memref_slice %arg5[%add3A_240, %dma_start3A_241] : memref<50x128xi32, #tpu.memory_space<vmem>> -> memref<1x128xi32, #tpu.memory_space<vmem>>
      %dma_start3A_243 = tpu.memref_squeeze %dma_start3A_242 : memref<1x128xi32, #tpu.memory_space<vmem>> -> memref<128xi32, #tpu.memory_space<vmem>>
      %dma_start3A_244 = arith.constant 0 : i32
      %dma_start3A_245 = arith.constant 0 : i32
      %dma_start3A_246 = tpu.memref_slice %arg2[%dma_start3A_244, %dma_start3A_245] : memref<1000000x128xf32, #tpu.memory_space<hbm>> -> memref<1000000x128xf32, #tpu.memory_space<hbm>>
      tpu.enqueue_indirect_dma source(%dma_start3A_246 : memref<1000000x128xf32, #tpu.memory_space<hbm>>) target(%arg7 : memref<128x128xf32, #tpu.memory_space<vmem>>) offsets(%dma_start3A_243 : memref<128xi32, #tpu.memory_space<vmem>>) semaphore(%arg9 : memref<!tpu.dma_semaphore, #tpu.memory_space<semaphore_mem>>)
    }
    %scan3A_97 = arith.constant 23 : i32
    %dma_wait3A_98 = arith.constant 48 : i32
    %dma_wait3A_99 = arith.constant 0 : i32
    %dma_wait3A_100 = tpu.memref_slice %arg5[%dma_wait3A_98, %dma_wait3A_99] : memref<50x128xi32, #tpu.memory_space<vmem>> -> memref<1x128xi32, #tpu.memory_space<vmem>>
    %dma_wait3A_101 = tpu.memref_squeeze %dma_wait3A_100 : memref<1x128xi32, #tpu.memory_space<vmem>> -> memref<128xi32, #tpu.memory_space<vmem>>
    %dma_wait3A_102 = arith.constant 0 : i32
    %dma_wait3A_103 = arith.constant 0 : i32
    %dma_wait3A_104 = tpu.memref_slice %arg2[%dma_wait3A_102, %dma_wait3A_103] : memref<1000000x128xf32, #tpu.memory_space<hbm>> -> memref<1000000x128xf32, #tpu.memory_space<hbm>>
    tpu.wait_indirect_dma semaphore(%arg8 : memref<!tpu.dma_semaphore, #tpu.memory_space<semaphore_mem>>) src(%dma_wait3A_104 : memref<1000000x128xf32, #tpu.memory_space<hbm>>) dst(%arg6 : memref<128x128xf32, #tpu.memory_space<vmem>>)
    %add3A_105 = arith.constant 6144 : i32
    %add3A_106 = arith.addi %mul3A_2, %add3A_105 : i32
    %dma_start3A_107 = arith.constant 0 : i32
    %dma_start3A_108 = arith.constant 0 : i32
    %dma_start3A_109 = tpu.memref_slice %arg6[%dma_start3A_107, %dma_start3A_108] : memref<128x128xf32, #tpu.memory_space<vmem>> -> memref<128x64xf32, #tpu.memory_space<vmem>>
    %dma_start3A_110 = arith.constant 0 : i32
    %dma_start3A_111 = tpu.memref_slice %arg4[%add3A_106, %dma_start3A_110] : memref<204800x64xf32, #tpu.memory_space<hbm>> -> memref<128x64xf32, #tpu.memory_space<hbm>>
    %dma_start3A_112 = arith.constant 0 : i32
    %dma_start3A_113 = tpu.memref_slice %arg4[%add3A_106, %dma_start3A_112] : memref<204800x64xf32, #tpu.memory_space<hbm>> -> memref<128x64xf32, #tpu.memory_space<hbm>>
    %dma_start3A_114 = arith.constant 0 : i32
    %dma_start3A_115 = arith.constant 0 : i32
    %dma_start3A_116 = tpu.memref_slice %arg6[%dma_start3A_114, %dma_start3A_115] : memref<128x128xf32, #tpu.memory_space<vmem>> -> memref<128x64xf32, #tpu.memory_space<vmem>>
    tpu.enqueue_dma source(%dma_start3A_116 : memref<128x64xf32, #tpu.memory_space<vmem>>) target(%dma_start3A_113 : memref<128x64xf32, #tpu.memory_space<hbm>>) target_semaphore(%arg10 : memref<!tpu.dma_semaphore, #tpu.memory_space<semaphore_mem>>)
    %add3A_117 = arith.constant 0 : i32
    %add3A_118 = arith.addi %mul3A_2, %add3A_117 : i32
    %dma_wait3A_119 = arith.constant 0 : i32
    %dma_wait3A_120 = arith.constant 0 : i32
    %dma_wait3A_121 = tpu.memref_slice %arg6[%dma_wait3A_119, %dma_wait3A_120] : memref<128x128xf32, #tpu.memory_space<vmem>> -> memref<128x64xf32, #tpu.memory_space<vmem>>
    %dma_wait3A_122 = arith.constant 0 : i32
    %dma_wait3A_123 = tpu.memref_slice %arg4[%add3A_118, %dma_wait3A_122] : memref<204800x64xf32, #tpu.memory_space<hbm>> -> memref<128x64xf32, #tpu.memory_space<hbm>>
    %dma_wait3A_124 = arith.constant 0 : i32
    %dma_wait3A_125 = tpu.memref_slice %arg4[%add3A_118, %dma_wait3A_124] : memref<204800x64xf32, #tpu.memory_space<hbm>> -> memref<128x64xf32, #tpu.memory_space<hbm>>
    %dma_wait3A_126 = arith.constant 0 : i32
    %dma_wait3A_127 = arith.constant 0 : i32
    %dma_wait3A_128 = tpu.memref_slice %arg6[%dma_wait3A_126, %dma_wait3A_127] : memref<128x128xf32, #tpu.memory_space<vmem>> -> memref<128x64xf32, #tpu.memory_space<vmem>>
    tpu.wait_dma2 semaphore(%arg10 : memref<!tpu.dma_semaphore, #tpu.memory_space<semaphore_mem>>) src(%dma_wait3A_128 : memref<128x64xf32, #tpu.memory_space<vmem>>) dst(%dma_wait3A_125 : memref<128x64xf32, #tpu.memory_space<hbm>>)
    %dma_wait3A_129 = arith.constant 49 : i32
    %dma_wait3A_130 = arith.constant 0 : i32
    %dma_wait3A_131 = tpu.memref_slice %arg5[%dma_wait3A_129, %dma_wait3A_130] : memref<50x128xi32, #tpu.memory_space<vmem>> -> memref<1x128xi32, #tpu.memory_space<vmem>>
    %dma_wait3A_132 = tpu.memref_squeeze %dma_wait3A_131 : memref<1x128xi32, #tpu.memory_space<vmem>> -> memref<128xi32, #tpu.memory_space<vmem>>
    %dma_wait3A_133 = arith.constant 0 : i32
    %dma_wait3A_134 = arith.constant 0 : i32
    %dma_wait3A_135 = tpu.memref_slice %arg2[%dma_wait3A_133, %dma_wait3A_134] : memref<1000000x128xf32, #tpu.memory_space<hbm>> -> memref<1000000x128xf32, #tpu.memory_space<hbm>>
    tpu.wait_indirect_dma semaphore(%arg9 : memref<!tpu.dma_semaphore, #tpu.memory_space<semaphore_mem>>) src(%dma_wait3A_135 : memref<1000000x128xf32, #tpu.memory_space<hbm>>) dst(%arg7 : memref<128x128xf32, #tpu.memory_space<vmem>>)
    %add3A_136 = arith.constant 6272 : i32
    %add3A_137 = arith.addi %mul3A_2, %add3A_136 : i32
    %dma_start3A_138 = arith.constant 0 : i32
    %dma_start3A_139 = arith.constant 0 : i32
    %dma_start3A_140 = tpu.memref_slice %arg7[%dma_start3A_138, %dma_start3A_139] : memref<128x128xf32, #tpu.memory_space<vmem>> -> memref<128x64xf32, #tpu.memory_space<vmem>>
    %dma_start3A_141 = arith.constant 0 : i32
    %dma_start3A_142 = tpu.memref_slice %arg4[%add3A_137, %dma_start3A_141] : memref<204800x64xf32, #tpu.memory_space<hbm>> -> memref<128x64xf32, #tpu.memory_space<hbm>>
    %dma_start3A_143 = arith.constant 0 : i32
    %dma_start3A_144 = tpu.memref_slice %arg4[%add3A_137, %dma_start3A_143] : memref<204800x64xf32, #tpu.memory_space<hbm>> -> memref<128x64xf32, #tpu.memory_space<hbm>>
    %dma_start3A_145 = arith.constant 0 : i32
    %dma_start3A_146 = arith.constant 0 : i32
    %dma_start3A_147 = tpu.memref_slice %arg7[%dma_start3A_145, %dma_start3A_146] : memref<128x128xf32, #tpu.memory_space<vmem>> -> memref<128x64xf32, #tpu.memory_space<vmem>>
    tpu.enqueue_dma source(%dma_start3A_147 : memref<128x64xf32, #tpu.memory_space<vmem>>) target(%dma_start3A_144 : memref<128x64xf32, #tpu.memory_space<hbm>>) target_semaphore(%arg11 : memref<!tpu.dma_semaphore, #tpu.memory_space<semaphore_mem>>)
    %add3A_148 = arith.constant 0 : i32
    %add3A_149 = arith.addi %mul3A_2, %add3A_148 : i32
    %dma_wait3A_150 = arith.constant 0 : i32
    %dma_wait3A_151 = arith.constant 0 : i32
    %dma_wait3A_152 = tpu.memref_slice %arg7[%dma_wait3A_150, %dma_wait3A_151] : memref<128x128xf32, #tpu.memory_space<vmem>> -> memref<128x64xf32, #tpu.memory_space<vmem>>
    %dma_wait3A_153 = arith.constant 0 : i32
    %dma_wait3A_154 = tpu.memref_slice %arg4[%add3A_149, %dma_wait3A_153] : memref<204800x64xf32, #tpu.memory_space<hbm>> -> memref<128x64xf32, #tpu.memory_space<hbm>>
    %dma_wait3A_155 = arith.constant 0 : i32
    %dma_wait3A_156 = tpu.memref_slice %arg4[%add3A_149, %dma_wait3A_155] : memref<204800x64xf32, #tpu.memory_space<hbm>> -> memref<128x64xf32, #tpu.memory_space<hbm>>
    %dma_wait3A_157 = arith.constant 0 : i32
    %dma_wait3A_158 = arith.constant 0 : i32
    %dma_wait3A_159 = tpu.memref_slice %arg7[%dma_wait3A_157, %dma_wait3A_158] : memref<128x128xf32, #tpu.memory_space<vmem>> -> memref<128x64xf32, #tpu.memory_space<vmem>>
    tpu.wait_dma2 semaphore(%arg11 : memref<!tpu.dma_semaphore, #tpu.memory_space<semaphore_mem>>) src(%dma_wait3A_159 : memref<128x64xf32, #tpu.memory_space<vmem>>) dst(%dma_wait3A_156 : memref<128x64xf32, #tpu.memory_space<hbm>>)
    return
  }
}

</mosaic_0001>

<sc_bundles>
// kernel: _run.3.cloned.1.call-start
scs
__scs_entry_jumppad:
0x0: {  	(pc) =	sbr.rel $0x88, $3  }
0x1: {  	(tag) =	ssettag $0x0;
	lr =	simm.s32 $0x1  }
0x2: {  	[smem:$0x3F9F] =	sst lr;
	_ =	strace $0xD0000000  }
0x3: {  	_ = 	snop  }
0x4: {  	_ = 	snop  }
0x5: {  	_ = 	snop  }
0x6: {  	_ = 	snop  }
0x7: {  	_ = 	snop  }
__scs_overlays_trampoline_lowered:
0x8: {  	[smem:$0x3FAE] =	sst s0  }
0x9: {  	[smem:$0x3FAF] =	sst s1  }
0xa: {  	[smem:$0x3FB0] =	sst s2  }
0xb: {  	[smem:$0x3FB1] =	sst s3  }
0xc: {  	[smem:$0x3FB2] =	sst s4  }
0xd: {  	[smem:$0x3FB3] =	sst s5  }
0xe: {  	[smem:$0x3FB4] =	sst s6  }
0xf: {  	[smem:$0x3FB5] =	sst s7  }
0x10: {  	[smem:$0x3FB6] =	sst s8  }
0x11: {  	[smem:$0x3FB7] =	sst s9;
	s0 =	simm.s32 @!p0 $0x0  }
0x12: {  	s1 =	sld [smem:$0x3F9D];
	s0 =	simm.s32 @p0 $0x1  }
0x13: {  	[smem:$0x3FB8] =	sst s0;
	s0 =	simm.s32 @!p1 $0x0  }
0x14: {  	s2 =	sld [smem:$0x3F9C];
	s0 =	simm.s32 @p1 $0x1  }
0x15: {  	[smem:$0x3FB9] =	sst s0;
	s0 =	simm.s32 @!p2 $0x0  }
0x16: {  	s3 =	sld [smem:$0x3FDB];
	s0 =	simm.s32 @p2 $0x1  }
0x17: {  	s4 =	simm.s32 $0x1BF5;
	[smem:$0x3FBB] =	sst s0  }
0x18: {  	s0 =	sld [smem:$0x3F9E];
	_ =	swait.ge [sflag:s4], $0x0  }
0x19: {  	s7 =	sld [smem:$0x3F9F]  }
0x1a: {  	s8 =	sadd.s32 $0xFFFFE003, lr  }
0x1b: {  	s9 =	sadd.s32 $0xFFFFFEF7, lr;
	s5 =	simm.s32 $0xFFFFFFFF;
	p2 =	slt.u32 s8, $0xFFFFF086  }
0x1c: {  	p1 =	slt.u32 s9, $0xF7A;
	s5 =	simm.s32 @!p2 $0x0  }
0x1d: {  	s5 =	simm.s32 @p1 $0x1;
	p0 =	seq.s32 s7, s2  }
0x1e: {  	s7 =	smul.u32 @!p0 $0xF7A, s2;
	p2 =	seq.s32 @!p0 s5, $0x0  }
0x1f: {  	s9 =	smul.u32 $0xF7A, s1;
	s8 =	simm.s32 @!p0 $0x1BF5;
	p2 =	por !p2, p0  }
0x20: {  	[sflag:s8] =	ssyncset.s32 @!p0 $0xFFFFF086;
	s6 =	sadd.s32 @!p0 s3, s7;
	s7 =	simm.s32 @!p0 $0x108  }
0x21: {  	s3 =	sadd.s32 s3, s9;
	s6 =	sadd.s32 @!p0 $0x88, s6;
	s7 =	simm.s32 @p2 $0x1082  }
0x22: {  	[simem:s7], [sflag:s8] =	dma.local @!p0 [hbm:s6], $0xF7A  }
0x23: {  	s9 =	sor.u32 $0xD0000000, s2;
	s6 =	simm.s32 $0x108;
	_ =	swait.ge @!p0 [sflag:s8], $0x0  }
0x24: {  	s3 =	sadd.s32 $0x88, s3;
	s6 =	simm.s32 @!p1 $0x1082;
	[sflag:s4] =	ssyncset.s32 $0xFFFFF086  }
0x25: {  	[simem:s6], [sflag:s4] =	dma.local [hbm:s3], $0xF7A  }
0x26: {  	[smem:$0x3F9F] =	sst s1;
	(tag) =	ssettag s2;
	_ =	strace s9  }
0x27: {  	s1 =	sld [smem:$0x3FAF]  }
0x28: {  	s2 =	sld [smem:$0x3FB0]  }
0x29: {  	s4 =	sld [smem:$0x3FB2]  }
0x2a: {  	p0 =	seq.s32 s5, $0x0;
	s5 =	sld [smem:$0x3FB3]  }
0x2b: {  	s6 =	sld [smem:$0x3FB4]  }
0x2c: {  	s7 =	sld [smem:$0x3FB5]  }
0x2d: {  	s3 =	simm.s32 $0x108;
	s8 =	sld [smem:$0x3FB6]  }
0x2e: {  	s3 =	simm.s32 @!p0 $0x1082;
	s9 =	sld [smem:$0x3FB7]  }
0x2f: {  	lr =	sadd.s32 s0, s3;
	s0 =	sld [smem:$0x3FAE]  }
0x30: {  	s3 =	sld [smem:$0x3FB1]  }
0x31: {  	[smem:$0x3FBA] =	sst s10  }
0x32: {  	s10 =	sld [smem:$0x3FB8];
	_ =	sdelay $0x3  }
0x33: {  	p0 =	seq.s32 s10, $0x1;
	s10 =	sld [smem:$0x3FBA];
	_ =	sdelay $0x3  }
0x34: {  	[smem:$0x3FBA] =	sst s10  }
0x35: {  	s10 =	sld [smem:$0x3FB9];
	_ =	sdelay $0x3  }
0x36: {  	p1 =	seq.s32 s10, $0x1;
	s10 =	sld [smem:$0x3FBA];
	_ =	sdelay $0x3  }
0x37: {  	[smem:$0x3FBA] =	sst s10  }
0x38: {  	s10 =	sld [smem:$0x3FBB]  }
0x39: {  	_ = 	snop;
	(pc) =	sbr.ind lr, $3  }
0x3a: {  	_ = 	snop  }
0x3b: {  	_ = 	snop  }
0x3c: {  	p2 =	seq.s32 s10, $0x1;
	s10 =	sld [smem:$0x3FBA]  }
0x3d: {  	_ =	shalt  }
0x3e: {  	_ =	shalt  }
0x3f: {  	_ =	shalt  }
0x40: {  	_ =	shalt  }
0x41: {  	_ =	shalt  }
0x42: {  	_ =	shalt  }
0x43: {  	_ =	shalt  }
0x44: {  	_ =	shalt  }
0x45: {  	_ =	shalt  }
0x46: {  	_ =	shalt  }
0x47: {  	_ =	shalt  }
0x48: {  	_ =	shalt  }
0x49: {  	_ =	shalt  }
0x4a: {  	_ =	shalt  }
0x4b: {  	_ =	shalt  }
0x4c: {  	_ =	shalt  }
0x4d: {  	_ =	shalt  }
0x4e: {  	_ =	shalt  }
0x4f: {  	_ =	shalt  }
0x50: {  	_ =	shalt  }
0x51: {  	_ =	shalt  }
0x52: {  	_ =	shalt  }
0x53: {  	_ =	shalt  }
0x54: {  	_ =	shalt  }
0x55: {  	_ =	shalt  }
0x56: {  	_ =	shalt  }
0x57: {  	_ =	shalt  }
0x58: {  	_ =	shalt  }
0x59: {  	_ =	shalt  }
0x5a: {  	_ =	shalt  }
0x5b: {  	_ =	shalt  }
0x5c: {  	_ =	shalt  }
0x5d: {  	_ =	shalt  }
0x5e: {  	_ =	shalt  }
0x5f: {  	_ =	shalt  }
0x60: {  	_ =	shalt  }
0x61: {  	_ =	shalt  }
0x62: {  	_ =	shalt  }
0x63: {  	_ =	shalt  }
0x64: {  	_ =	shalt  }
0x65: {  	_ =	shalt  }
0x66: {  	_ =	shalt  }
0x67: {  	_ =	shalt  }
0x68: {  	_ =	shalt  }
0x69: {  	_ =	shalt  }
0x6a: {  	_ =	shalt  }
0x6b: {  	_ =	shalt  }
0x6c: {  	_ =	shalt  }
0x6d: {  	_ =	shalt  }
0x6e: {  	_ =	shalt  }
0x6f: {  	_ =	shalt  }
0x70: {  	_ =	shalt  }
0x71: {  	_ =	shalt  }
0x72: {  	_ =	shalt  }
0x73: {  	_ =	shalt  }
0x74: {  	_ =	shalt  }
0x75: {  	_ =	shalt  }
0x76: {  	_ =	shalt  }
0x77: {  	_ =	shalt  }
0x78: {  	_ =	shalt  }
0x79: {  	_ =	shalt  }
0x7a: {  	_ =	shalt  }
0x7b: {  	_ =	shalt  }
0x7c: {  	_ =	shalt  }
0x7d: {  	_ =	shalt  }
0x7e: {  	_ =	shalt  }
0x7f: {  	_ =	shalt  }
0x80: {  	_ =	shalt  }
0x81: {  	_ =	shalt  }
0x82: {  	_ =	shalt  }
0x83: {  	_ =	shalt  }
0x84: {  	_ =	shalt  }
0x85: {  	_ =	shalt  }
0x86: {  	_ =	shalt  }
0x87: {  	_ =	shalt  }
.Lfunc_end0:
.L_simem_size_0:
called_computation.1_lowered:
.L_overlay_start_0:
0x88: {  	s2 =	sld [smem:$0x3FD9]  }
0x89: {  	s3 =	sld [smem:$0x3FFE];
	_ =	sdelay $0x1  }
0x8a: {  	s1 =	srdreg.scid  }
0x8b: {  	s0 =	sand.u32 $0x1, s1  }
0x8c: {  	s18 =	sshll.u32 s0, $0xA;
	s2 =	sadd.s32 s3, s2  }
0x8d: {  	s2 =	sadd.s32 s2, s18  }
0x8e: {  	[smem:$0x3FC6] =	sst s2  }
0x8f: {  	_ = 	snop  }
0x90: {  	s2 =	sld [smem:$0x3FC9]  }
0x91: {  	s19 =	sld [smem:$0x3FC8]  }
0x92: {  	s4 =	sld [smem:$0x3FD0];
	(tm) =	ssettm $0x1  }
0x93: {  	s5 =	sld [smem:$0x3FFB];
	_ =	sdelay $0x3  }
0x94: {  	_ =	strace s5  }
0x95: {  	s5 =	sld [smem:$0x3FFC];
	_ =	sdelay $0x3  }
0x96: {  	_ =	strace s5  }
0x97: {  	s5 =	sld [smem:$0x3FFD];
	_ =	sdelay $0x3  }
0x98: {  	_ =	strace s5  }
0x99: {  	_ =	strace $0x8FFFFFFF  }
0x9a: {  	s20 =	sld [smem:$0x3FDB];
	_ =	sdelay $0x1  }
0x9b: {  	s6 =	simm.s32 $_scs_section_size  }
0x9c: {  	s7 =	simm.s32 $_size__tile_overlayer_lowered;
	s8 =	simm.s32 $_tile_overlayer_lowered  }
0x9d: {  	s23 =	simm.s32 $0x1BFF;
	s22 =	sshll.u32 s8, $0x1;
	s5 =	sadd.s32 s6, s20  }
0x9e: {  	s9 =	simm.s32 $0x0;
	s21 =	sshll.u32 s7, $0x1;
	s7 =	sadd.s32 s22, s5  }
0x9f: {  	[timem:s9], [sflag:s23] =	dma.local [hbm:s7], s21  }
0xa0: {  	_ =	swait.ge [sflag:s23], s21  }
0xa1: {  	s6 =	ssub.s32 $0x0, s21;
	[sflag:s23] =	ssyncset.done $0x0  }
0xa2: {  	[sflag:s23] =	ssyncadd.s32 s6;
	_ =	sdelay $0x1  }
0xa3: {  	s24 =	simm.s32 $0x1B8B  }
0xa4: {  	_ =	swait.ge [sflag:s24], $0x1  }
0xa5: {  	[sflag:s24] =	ssyncset.done $0x0  }
0xa6: {  	s25 =	simm.s32 $0x1B8E;
	[sflag:s24] =	ssyncadd.s32 $0xFFFFFFFF  }
0xa7: {  	s26 =	simm.s32 $execute0_lowered;
	[smem:$0x3FD2] =	sst s25  }
0xa8: {  	s6 =	sshll.u32 s26, $0x1;
	_ =	strace $0x80000046;
	[dreg:$0x1] =	wrdreg $0xFFFFFFFF  }
0xa9: {  	s28 =	simm.s32 $_size_execute0_lowered;
	s5 =	sadd.s32 s5, s6;
	[dreg:$0x0] =	wrdreg $0x0  }
0xaa: {  	s6 =	sshll.u32 s28, $0x1;
	[dreg:$0x2] =	wrdreg s5  }
0xab: {  	[dreg:$0x3] =	wrdreg s6  }
0xac: {  	[dreg:$0x4] =	wrdreg $0xC0  }
0xad: {  	_ =	task [dreg:s9], $0x5FFFF  }
0xae: {  	[dreg:$0x1] =	wrdreg $0xFFFFFFFF  }
0xaf: {  	[dreg:$0x0] =	wrdreg $0x60  }
0xb0: {  	[dreg:$0x2] =	wrdreg s19  }
0xb1: {  	[dreg:$0x3] =	wrdreg s2  }
0xb2: {  	[dreg:$0x4] =	wrdreg s4  }
0xb3: {  	[dreg:$0x5] =	wrdreg $0x9  }
0xb4: {  	_ =	task.clear_ibuf [dreg:s9], $0x6FFFF;
	_ =	strace $0x90000046  }
0xb5: {  	s29 =	simm.s32 $0x9;
	_ =	strace $0x80000048  }
0xb6: {  	_ =	swait.ge [sflag:s29], $0x1  }
0xb7: {  	[sflag:s29] =	ssyncadd.s32 $0xFFFFFFFF  }
0xb8: {  	_ =	strace $0x90000048  }
0xb9: {  	_ =	sfence  }
0xba: {  	s30 =	sld [smem:$0x0];
	_ =	sdelay $0x2  }
0xbb: {  	s31 =	sshll.u32 s1, $0xD;
	s1 =	sshrl.u32 s1, $0x2  }
0xbc: {  	s3 =	sand.u32 $0x4000, s31;
	s1 =	sadd.s32 s1, s30  }
0xbd: {  	s0 =	sor.u32 s3, s0;
	s1 =	sshll.u32 s1, $0x11  }
0xbe: {  	s0 =	sor.u32 s1, s0  }
0xbf: {  	s0 =	sadd.s32 $0x8F2B, s0  }
0xc0: {  	[sflag:s0] =	ssyncadd.remote.s32 $0x1  }
0xc1: {  	_ =	sfence.sel $0xFFFF  }
0xc2: {  	[dreg:$0x0] =	wrdreg $0xFFFFFFFF;
	(pc) =	sbr.abs _section_cstart, $3  }
0xc3: {  	[dreg:$0x1] =	wrdreg $0xFFFFFFFF  }
0xc4: {  	_ =	task.clear_ibuf [dreg:s9], $0x2FFFF;
	_ =	strace $0x9FFFFFFF  }
0xc5: {  	(tm) =	ssettm $0x7FFFFFFF  }
tec
execute0_lowered:
.L_overlay_start_1:
0x0: {  	(tag) =	ssettag $0x1  }
0x1: {  	s1 =	rddreg [dreg:$0x0];
	s2 =	srdreg.scid  }
0x2: {  	s0 =	stileid.u32;
	s6 =	rddreg [dreg:$0x1]  }
0x3: {  	s3 =	rddreg [dreg:$0x2];
	s4 =	simm.s32 $0x0;
	s12 =	simm.s32 $0x5  }
0x4: {  	s13 =	simm.s32 $0x80;
	s14 =	simm.s32 $0x5900;
	s15 =	simm.s32 $0x1  }
0x5: {  	s16 =	simm.s32 $0x3;
	s17 =	simm.s32 $0x100;
	s18 =	simm.s32 $0x1900  }
0x6: {  	s19 =	simm.s32 $0x2;
	s5 =	sand.u32 $0x1, s2;
	s29 =	sshll.u32 s0, $0x1  }
0x7: {  	s20 =	simm.s32 $0x4;
	s21 =	simm.s32 $0x180;
	s7 =	sor.u32 s5, s29  }
0x8: {  	s22 =	simm.s32 $0x0;
	s2 =	rddreg [dreg:$0x3];
	s8 =	smul.u32 $0x320, s7  }
0x9: {  	[smem:$0x7FF] =	sst s4;
	s9 =	ssub.s32 $0x2, s5;
	s5 =	smul.u32 $0x64000, s7  }
0xa: {  	_ =	strace $0x80000047;
	s10 =	sshrl.u32 s9, $0x1;
	s7 =	smul.u32 $0xC800, s7  }
0xb: {  	s11 =	ssub.s32 s9, s10;
	s30 =	sshrl.u32 s5, $0x3;
	s6 =	sadd.s32 s6, s8  }
0xc: {  	s7 =	sadd.s32 s3, s7;
	s11 =	smax.u32 s11, $0x1;
	s31 =	sadd.s32 s3, s30  }
0xd: {  	s8 =	sadd.s32 $0x400, s7;
	s9 =	sadd.s32 $0xC000, s31;
	s10 =	sadd.s32 $0xC400, s31  }
.LBB2_1:
0xe: {  	[tilespmem:s4], [sflag:$0x5] =	stream.linear.gather [hbm4b:s6+s4], $0x1900, $0x38;
	[tilespmem:$0x9900] =	vst v63  }
0xf: {  	_ =	swait.ge [sflag:s12], $0x1900  }
0x10: {  	[sflag:s12] =	ssyncset.done $0x0  }
0x11: {  	[sflag:s12] =	ssyncadd.s32 $0xFFFFE700  }
0x12: {  	[tilespmem:s18], [sflag:$0x1] =	stream.indirect.gather [hbm4b:s1+s13], $0x80, s4, s13, $0xb8;
	[tilespmem:$0x9900] =	vst v63  }
0x13: {  	_ = 	snop  }
0x14: {  	[tilespmem:s14], [sflag:$0x2] =	stream.indirect.gather [hbm4b:s1+s13], $0x80, s13, s13, $0xb8;
	[tilespmem:$0x9900] =	vst v63  }
0x15: {  	_ =	swait.ge [sflag:s15], $0x4000  }
0x16: {  	s23 =	simm.s32 $0x8;
	s26 =	sadd.s32 $0x0, s7;
	[sflag:s15] =	ssyncset.done $0x0  }
0x17: {  	s24 =	simm.s32 $0x1980;
	s25 =	simm.s32 $0x1900;
	[sflag:s15] =	ssyncadd.s32 $0xFFFFC000  }
.LBB2_2:
0x18: {  	[hbm4b:s26+s4] =	stream.linear.scatter [tilespmem:s25], [sflag:$0x3], $0x40, $0x38;
	[tilespmem:$0x9900] =	vst v63  }
0x19: {  	s26 =	smov.u32 s23;
	s25 =	smov.u32 s24;
	p0 =	sne.s32 s23, $0x3F8  }
.Ltmp0:
0x1a: {  	s23 =	sadd.s32 $0x8, s23;
	(pc) =	sbr.rel @p0 .LBB2_2-.Ltmp0, $2  }
0x1b: {  	_ =	sdelay $0x2  }
0x1c: {  	s24 =	sadd.s32 $0x80, s24;
	s26 =	sadd.s32 s26, s7  }
0x1d: {  	[hbm4b:s26+s4] =	stream.linear.scatter [tilespmem:s25], [sflag:$0x3], $0x40, $0x38;
	[tilespmem:$0x9900] =	vst v63  }
0x1e: {  	_ =	swait.ge [sflag:s16], $0x2000  }
0x1f: {  	[sflag:s16] =	ssyncset.done $0x0  }
0x20: {  	[sflag:s16] =	ssyncadd.s32 $0xFFFFE000  }
0x21: {  	[tilespmem:s18], [sflag:$0x1] =	stream.indirect.gather [hbm4b:s1+s13], $0x80, s17, s13, $0xb8;
	[tilespmem:$0x9900] =	vst v63  }
0x22: {  	_ =	swait.ge [sflag:s19], $0x4000  }
0x23: {  	s23 =	simm.s32 $0x5900;
	s24 =	simm.s32 $0x8;
	[sflag:s19] =	ssyncset.done $0x0  }
0x24: {  	s26 =	sadd.s32 $0x0, s8;
	s25 =	simm.s32 $0x5980;
	[sflag:s19] =	ssyncadd.s32 $0xFFFFC000  }
.LBB2_4:
0x25: {  	[hbm4b:s26+s4] =	stream.linear.scatter [tilespmem:s23], [sflag:$0x4], $0x40, $0x38;
	[tilespmem:$0x9900] =	vst v63  }
0x26: {  	s26 =	smov.u32 s24;
	s23 =	smov.u32 s25;
	p0 =	sne.s32 s24, $0x3F8  }
.Ltmp1:
0x27: {  	s24 =	sadd.s32 $0x8, s24;
	(pc) =	sbr.rel @p0 .LBB2_4-.Ltmp1, $2  }
0x28: {  	_ =	sdelay $0x2  }
0x29: {  	s25 =	sadd.s32 $0x80, s25;
	s26 =	sadd.s32 s26, s8  }
0x2a: {  	[hbm4b:s26+s4] =	stream.linear.scatter [tilespmem:s23], [sflag:$0x4], $0x40, $0x38;
	[tilespmem:$0x9900] =	vst v63  }
0x2b: {  	_ =	swait.ge [sflag:s20], $0x2000  }
0x2c: {  	[sflag:s20] =	ssyncset.done $0x0  }
0x2d: {  	s23 =	simm.s32 $0x1;
	[sflag:s20] =	ssyncadd.s32 $0xFFFFE000  }
0x2e: {  	[tilespmem:s14], [sflag:$0x2] =	stream.indirect.gather [hbm4b:s1+s13], $0x80, s21, s13, $0xb8;
	[tilespmem:$0x9900] =	vst v63  }
.LBB2_6:
0x2f: {  	s24 =	sshll.u32 s23, $0xE  }
0x30: {  	s24 =	sadd.s32 s5, s24  }
0x31: {  	_ =	swait.ge [sflag:s15], $0x4000;
	s25 =	simm.s32 $0x1900;
	s24 =	sshrl.u32 s24, $0x3  }
0x32: {  	s26 =	simm.s32 $0x8;
	[sflag:s15] =	ssyncset.done $0x0;
	s24 =	sadd.s32 s3, s24  }
0x33: {  	s28 =	simm.s32 $0x1980;
	[sflag:s15] =	ssyncadd.s32 $0xFFFFC000;
	s29 =	sadd.s32 $0x0, s24  }
.LBB2_7:
0x34: {  	[hbm4b:s29+s4] =	stream.linear.scatter [tilespmem:s25], [sflag:$0x3], $0x40, $0x38;
	[tilespmem:$0x9900] =	vst v63  }
0x35: {  	s29 =	smov.u32 s26;
	s25 =	smov.u32 s28;
	p0 =	sne.s32 s26, $0x3F8  }
.Ltmp2:
0x36: {  	s26 =	sadd.s32 $0x8, s26;
	(pc) =	sbr.rel @p0 .LBB2_7-.Ltmp2, $2  }
0x37: {  	_ =	sdelay $0x2  }
0x38: {  	s28 =	sadd.s32 $0x80, s28;
	s29 =	sadd.s32 s29, s24  }
0x39: {  	[hbm4b:s29+s4] =	stream.linear.scatter [tilespmem:s25], [sflag:$0x3], $0x40, $0x38;
	[tilespmem:$0x9900] =	vst v63  }
0x3a: {  	s24 =	sshll.u32 s23, $0x8;
	_ =	swait.ge [sflag:s16], $0x2000  }
0x3b: {  	s24 =	sand.u32 $0x3FFFFF00, s24;
	[sflag:s16] =	ssyncset.done $0x0  }
0x3c: {  	s26 =	sadd.s32 $0x100, s24;
	[sflag:s16] =	ssyncadd.s32 $0xFFFFE000  }
0x3d: {  	[tilespmem:s18], [sflag:$0x1] =	stream.indirect.gather [hbm4b:s1+s13], $0x80, s26, s13, $0xb8;
	[tilespmem:$0x9900] =	vst v63  }
0x3e: {  	s31 =	sshll.u32 s23, $0xB;
	s28 =	simm.s32 $0x8;
	_ =	swait.ge [sflag:s19], $0x4000  }
0x3f: {  	s29 =	simm.s32 $0x5980;
	s25 =	sadd.s32 s8, s31;
	[sflag:s19] =	ssyncset.done $0x0  }
0x40: {  	s30 =	sadd.s32 $0x0, s25;
	s26 =	simm.s32 $0x5900;
	[sflag:s19] =	ssyncadd.s32 $0xFFFFC000  }
.LBB2_9:
0x41: {  	[hbm4b:s30+s4] =	stream.linear.scatter [tilespmem:s26], [sflag:$0x4], $0x40, $0x38;
	[tilespmem:$0x9900] =	vst v63  }
0x42: {  	s30 =	smov.u32 s28;
	s26 =	smov.u32 s29;
	p0 =	sne.s32 s28, $0x3F8  }
.Ltmp3:
0x43: {  	s28 =	sadd.s32 $0x8, s28;
	(pc) =	sbr.rel @p0 .LBB2_9-.Ltmp3, $2  }
0x44: {  	_ =	sdelay $0x2  }
0x45: {  	s29 =	sadd.s32 $0x80, s29;
	s30 =	sadd.s32 s30, s25  }
0x46: {  	[hbm4b:s30+s4] =	stream.linear.scatter [tilespmem:s26], [sflag:$0x4], $0x40, $0x38;
	[tilespmem:$0x9900] =	vst v63  }
0x47: {  	s23 =	sadd.s32 $0x1, s23  }
0x48: {  	p0 =	sne.s32 s23, $0x18  }
.Ltmp4:
0x49: {  	_ = 	snop;
	(pc) =	sbr.rel @p0 .LBB2_6-.Ltmp4, $4  }
0x4a: {  	_ =	swait.ge [sflag:s20], $0x2000  }
0x4b: {  	[sflag:s20] =	ssyncset.done $0x0  }
0x4c: {  	s24 =	sadd.s32 $0x180, s24;
	[sflag:s20] =	ssyncadd.s32 $0xFFFFE000  }
0x4d: {  	[tilespmem:s14], [sflag:$0x2] =	stream.indirect.gather [hbm4b:s1+s13], $0x80, s24, s13, $0xb8;
	[tilespmem:$0x9900] =	vst v63  }
0x4e: {  	_ =	swait.ge [sflag:s15], $0x4000  }
0x4f: {  	s23 =	simm.s32 $0x1900;
	s24 =	simm.s32 $0x8;
	[sflag:s15] =	ssyncset.done $0x0  }
0x50: {  	s26 =	sadd.s32 $0x0, s9;
	s25 =	simm.s32 $0x1980;
	[sflag:s15] =	ssyncadd.s32 $0xFFFFC000  }
.LBB2_12:
0x51: {  	[hbm4b:s26+s4] =	stream.linear.scatter [tilespmem:s23], [sflag:$0x3], $0x40, $0x38;
	[tilespmem:$0x9900] =	vst v63  }
0x52: {  	s26 =	smov.u32 s24;
	s23 =	smov.u32 s25;
	p0 =	sne.s32 s24, $0x3F8  }
.Ltmp5:
0x53: {  	s24 =	sadd.s32 $0x8, s24;
	(pc) =	sbr.rel @p0 .LBB2_12-.Ltmp5, $2  }
0x54: {  	_ =	sdelay $0x2  }
0x55: {  	s25 =	sadd.s32 $0x80, s25;
	s26 =	sadd.s32 s26, s9  }
0x56: {  	[hbm4b:s26+s4] =	stream.linear.scatter [tilespmem:s23], [sflag:$0x3], $0x40, $0x38;
	[tilespmem:$0x9900] =	vst v63  }
0x57: {  	_ =	swait.ge [sflag:s16], $0x2000  }
0x58: {  	[sflag:s16] =	ssyncset.done $0x0  }
0x59: {  	[sflag:s16] =	ssyncadd.s32 $0xFFFFE000  }
0x5a: {  	_ =	swait.ge [sflag:s19], $0x4000  }
0x5b: {  	s23 =	simm.s32 $0x5900;
	s24 =	simm.s32 $0x8;
	[sflag:s19] =	ssyncset.done $0x0  }
0x5c: {  	s26 =	sadd.s32 $0x0, s10;
	s25 =	simm.s32 $0x5980;
	[sflag:s19] =	ssyncadd.s32 $0xFFFFC000  }
.LBB2_14:
0x5d: {  	[hbm4b:s26+s4] =	stream.linear.scatter [tilespmem:s23], [sflag:$0x4], $0x40, $0x38;
	[tilespmem:$0x9900] =	vst v63  }
0x5e: {  	s26 =	smov.u32 s24;
	s23 =	smov.u32 s25;
	p0 =	sne.s32 s24, $0x3F8  }
.Ltmp6:
0x5f: {  	s24 =	sadd.s32 $0x8, s24;
	(pc) =	sbr.rel @p0 .LBB2_14-.Ltmp6, $2  }
0x60: {  	_ =	sdelay $0x2  }
0x61: {  	s25 =	sadd.s32 $0x80, s25;
	s26 =	sadd.s32 s26, s10  }
0x62: {  	s22 =	sadd.s32 $0x1, s22  }
0x63: {  	p0 =	sne.s32 s22, s11  }
.Ltmp7:
0x64: {  	_ = 	snop;
	(pc) =	sbr.rel @p0 .LBB2_1-.Ltmp7, $4  }
0x65: {  	[hbm4b:s26+s4] =	stream.linear.scatter [tilespmem:s23], [sflag:$0x4], $0x40, $0x38;
	[tilespmem:$0x9900] =	vst v63  }
0x66: {  	_ =	swait.ge [sflag:s20], $0x2000  }
0x67: {  	[sflag:s20] =	ssyncset.done $0x0  }
0x68: {  	[sflag:s20] =	ssyncadd.s32 $0xFFFFE000  }
0x69: {  	_ =	sfence.sel $0x180000  }
0x6a: {  	[bflag:$0x0] =	sbarrier.arrive $0xFFFF  }
0x6b: {  	p0 =	sne.s32 s0, $0x0;
	_ =	strace $0x90000047  }
0x6c: {  	s0 =	sadd.s32 @!p0 $0x100000, s2;
	[bflag:$0x2] =	sbarrier.arrive $0xFFFF  }
0x6d: {  	[sflag:s0] =	ssyncadd.tile.s32 @!p0 $0x1;
	_ =	shalt  }
.Lfunc_end2:
_tile_overlayer_lowered:
.L_overlay_start_2:
0x6e: {  	(tag) =	ssettag $0x2  }
0x6f: {  	s0 =	rddreg [dreg:$0x0];
	s2 =	stileid.u32  }
0x70: {  	s1 =	rddreg [dreg:$0x1];
	p0 =	sne.s32 s2, $0x0  }
0x71: {  	s3 =	rddreg [dreg:$0x2];
	[bflag:$0x3] =	sbarrier.arrive $0xFFFF;
	s2 =	simm.s32 @!p0 $0x1C05  }
0x72: {  	[timem:s3], [sflag:s2] =	dma.local @!p0 [hbm:s0], s1  }
0x73: {  	s0 =	simm.s32 @!p0 $0x5  }
0x74: {  	_ =	swait.ge @!p0 [sflag:s0], s1  }
0x75: {  	s1 =	ssub.s32 @!p0 $0x0, s1;
	[sflag:s0] =	ssyncset.done @!p0 $0x0  }
0x76: {  	[sflag:s0] =	ssyncadd.s32 @!p0 s1  }
0x77: {  	[bflag:$0x3] =	sbarrier.arrive $0xFFFF  }
0x78: {  	_ =	shalt  }

// kernel: sparse-core-data-format-call.cloned.1.call-start
scs
called_computation_lowered:
.L_overlay_start_0:
0x0: {  	s2 =	sld [smem:$0x3FD9]  }
0x1: {  	s3 =	sld [smem:$0x3FFE];
	_ =	sdelay $0x1  }
0x2: {  	s1 =	srdreg.scid  }
0x3: {  	s0 =	sand.u32 $0x1, s1  }
0x4: {  	s18 =	sshll.u32 s0, $0xA;
	s2 =	sadd.s32 s3, s2  }
0x5: {  	s2 =	sadd.s32 s2, s18  }
0x6: {  	[smem:$0x3FC6] =	sst s2  }
0x7: {  	_ = 	snop  }
0x8: {  	s2 =	sld [smem:$0x3FD0];
	(tm) =	ssettm $0x1  }
0x9: {  	s19 =	sld [smem:$0x3FFB];
	_ =	sdelay $0x3  }
0xa: {  	_ =	strace s19  }
0xb: {  	s3 =	sld [smem:$0x3FFC];
	_ =	sdelay $0x3  }
0xc: {  	_ =	strace s3  }
0xd: {  	s3 =	sld [smem:$0x3FFD];
	_ =	sdelay $0x3  }
0xe: {  	_ =	strace s3  }
0xf: {  	_ =	strace $0x8FFFFFFF  }
0x10: {  	s20 =	sld [smem:$0x3FDB];
	_ =	sdelay $0x1  }
0x11: {  	s4 =	simm.s32 $_scs_section_size  }
0x12: {  	s5 =	simm.s32 $_size__tile_overlayer_lowered;
	s6 =	simm.s32 $_tile_overlayer_lowered  }
0x13: {  	s23 =	simm.s32 $0x1BFF;
	s22 =	sshll.u32 s6, $0x1;
	s3 =	sadd.s32 s4, s20  }
0x14: {  	s7 =	simm.s32 $0x0;
	s21 =	sshll.u32 s5, $0x1;
	s5 =	sadd.s32 s22, s3  }
0x15: {  	[timem:s7], [sflag:s23] =	dma.local [hbm:s5], s21  }
0x16: {  	_ =	swait.ge [sflag:s23], s21  }
0x17: {  	s4 =	ssub.s32 $0x0, s21;
	[sflag:s23] =	ssyncset.done $0x0  }
0x18: {  	[sflag:s23] =	ssyncadd.s32 s4;
	_ =	sdelay $0x1  }
0x19: {  	s24 =	simm.s32 $0x1B8B  }
0x1a: {  	_ =	swait.ge [sflag:s24], $0x1  }
0x1b: {  	[sflag:s24] =	ssyncset.done $0x0  }
0x1c: {  	s26 =	simm.s32 $0x1B8E;
	s25 =	sld [smem:$0x3FFE];
	[sflag:s24] =	ssyncadd.s32 $0xFFFFFFFF  }
0x1d: {  	s27 =	simm.s32 $execute0_lowered;
	[smem:$0x3FD2] =	sst s26  }
0x1e: {  	s5 =	sshll.u32 s27, $0x1;
	_ =	strace $0x80000049;
	[dreg:$0x1] =	wrdreg $0xFFFFFFFF  }
0x1f: {  	s28 =	simm.s32 $_size_execute0_lowered;
	s3 =	sadd.s32 s3, s5;
	[dreg:$0x0] =	wrdreg $0x0  }
0x20: {  	s5 =	sshll.u32 s28, $0x1;
	[dreg:$0x2] =	wrdreg s3  }
0x21: {  	[dreg:$0x3] =	wrdreg s5  }
0x22: {  	[dreg:$0x4] =	wrdreg $0xC0  }
0x23: {  	_ =	task [dreg:s7], $0x5FFFF  }
0x24: {  	[dreg:$0x1] =	wrdreg $0xFFFFFFFF  }
0x25: {  	[dreg:$0x0] =	wrdreg $0x60  }
0x26: {  	[dreg:$0x2] =	wrdreg s25  }
0x27: {  	[dreg:$0x3] =	wrdreg s2  }
0x28: {  	[dreg:$0x4] =	wrdreg $0x9  }
0x29: {  	_ =	task.clear_ibuf [dreg:s7], $0x5FFFF;
	_ =	strace $0x90000049  }
0x2a: {  	s29 =	simm.s32 $0x9;
	_ =	strace $0x8000004B  }
0x2b: {  	_ =	swait.ge [sflag:s29], $0x1  }
0x2c: {  	[sflag:s29] =	ssyncadd.s32 $0xFFFFFFFF  }
0x2d: {  	_ =	strace $0x9000004B  }
0x2e: {  	_ =	sfence  }
0x2f: {  	s30 =	sld [smem:$0x0];
	_ =	sdelay $0x2  }
0x30: {  	s31 =	sshll.u32 s1, $0xD;
	s1 =	sshrl.u32 s1, $0x2  }
0x31: {  	s3 =	sand.u32 $0x4000, s31;
	s1 =	sadd.s32 s1, s30  }
0x32: {  	s0 =	sor.u32 s3, s0;
	s1 =	sshll.u32 s1, $0x11  }
0x33: {  	s0 =	sor.u32 s1, s0  }
0x34: {  	s0 =	sadd.s32 $0x8F2B, s0  }
0x35: {  	[sflag:s0] =	ssyncadd.remote.s32 $0x1  }
0x36: {  	_ =	sfence.sel $0xFFFF  }
0x37: {  	[dreg:$0x0] =	wrdreg $0xFFFFFFFF;
	(pc) =	sbr.abs _section_cstart, $3  }
0x38: {  	[dreg:$0x1] =	wrdreg $0xFFFFFFFF  }
0x39: {  	_ =	task.clear_ibuf [dreg:s7], $0x2FFFF;
	_ =	strace $0x9FFFFFFF  }
0x3a: {  	(tm) =	ssettm $0x7FFFFFFF  }
0x3b: {  	_ =	shalt  }
tec
execute0_lowered:
.L_overlay_start_1:
0x0: {  	(tag) =	ssettag $0x1  }
0x1: {  	s0 =	srdreg.scid  }
0x2: {  	s1 =	sshll.u32 s0, $0x4  }
0x3: {  	s4 =	rddreg [dreg:$0x0];
	s0 =	stileid.u32;
	s1 =	sand.u32 $0x10, s1  }
0x4: {  	s2 =	rddreg [dreg:$0x1];
	s7 =	simm.s32 $0x1;
	s1 =	sor.u32 s0, s1  }
0x5: {  	s8 =	simm.s32 $0x2;
	s11 =	simm.s32 $0x0;
	s3 =	sshll.u32 s1, $0x7  }
0x6: {  	s10 =	simm.s32 $0x0;
	s4 =	sadd.s32 $0x800, s4;
	s6 =	ssub.s32 $0x32000, s3  }
.Ltmp0:
0x7: {  	s1 =	rddreg [dreg:$0x2];
	s5 =	sand.u32 $0xF80, s6;
	(pc) =	sbr.rel .LBB1_1-.Ltmp0, $4  }
0x8: {  	_ =	strace $0x8000004A;
	s9 =	smov.u32 s3;
	p0 =	sne.s32 s5, $0x0  }
0x9: {  	s6 =	sshrl.u32 s6, $0xC;
	s5 =	simm.s32 $0x1;
	s7 =	simm.s32 @!p0 $0x0  }
0xa: {  	[sflag:s5] =	ssyncpa.u1 $0x0;
	p0 =	por $0x0, $0x0;
	s6 =	sadd.s32 s7, s6  }
0xb: {  	[sflag:s8] =	ssyncpa.u1 $0x0;
	s8 =	simm.s32 $0x190000;
	s7 =	sadd.s32 $0x1, s6  }
.LBB1_4:
0xc: {  	s14 =	sshll.u32 s11, $0x3  }
0xd: {  	s30 =	sand.u32 $0x7F, s11;
	s15 =	sand.u32 $0xFFFFFC00, s14  }
0xe: {  	s11 =	sor.u32 s30, s15  }
0xf: {  	s15 =	smulhi.u32 $0x51EB851F, s11  }
0x10: {  	s14 =	smulhi.u32 $0x51EB851F, s14  }
0x11: {  	s15 =	sshrl.u32 s15, $0x10  }
0x12: {  	s14 =	sshrl.u32 s14, $0x10;
	s15 =	smul.u32 $0x32000, s15  }
0x13: {  	s14 =	sand.u32 $0x3F, s14  }
0x14: {  	s14 =	smul.u32 $0x6400, s14;
	s11 =	ssub.s32 s11, s15  }
0x15: {  	[tilespmem:s13+$0x810 ss:$0x81] =	vst.msk $0xffff, v2;
	s15 =	sand.u32 $0x7, s11  }
0x16: {  	[tilespmem:s13+$0x1020 ss:$0x81] =	vst.msk $0xffff, v0;
	s14 =	sadd.s32 s2, s14;
	s11 =	sshrl.u32 s11, $0x3;
	s15 =	sshll.u32 s15, $0x12  }
0x17: {  	[tilespmem:s13+$0x0 ss:$0x81] =	vst.msk $0xffff, v1;
	s11 =	sadd.s32 s11, s14;
	s31 =	sor.u32 $0x400, s15  }
0x18: {  	[hbm4b:s11+s31] =	stream.strided.scatter [tilespmem:s12], [sflag:$0x2], $0x2000, s8, s31, $0x20;
	[tilespmem:$0x8080] =	vst v63  }
.LBB1_5:
0x19: {  	s13 =	sadd.s32 $0x1000, s9  }
0x1a: {  	p2 =	sgt.s32 s13, $0x31FFF  }
0x1b: {  	s13 =	smov.u32 @p2 s3;
	p2 =	sne.s32 s10, s7  }
.Ltmp1:
0x1c: {  	p1 =	slt.u32 s10, $0x2;
	(pc) =	sbr.rel @!p2 .LBB1_6-.Ltmp1, $4  }
0x1d: {  	s12 =	simm.s32 @!p1 $0x2  }
0x1e: {  	s14 =	sadd.s32 $0x1, s10;
	_ =	swait.ge @!p1 [sflag:s12], $0x2000  }
0x1f: {  	s11 =	smov.u32 s9;
	p0 =	por !p0, !p0;
	[sflag:s12] =	ssyncset.done @!p1 $0x0  }
0x20: {  	s10 =	smov.u32 s14;
	s9 =	smov.u32 s13;
	[sflag:s12] =	ssyncadd.s32 @!p1 $0xFFFFE000  }
.LBB1_1:
0x21: {  	p1 =	sge.u32 s10, s6  }
0x22: {  	s12 =	sand.u32 @!p1 $0x1FFFFFF, s9  }
0x23: {  	s13 =	smulhi.u32 @!p1 $0x147AE15, s12;
	_ =	sdelay $0x1  }
0x24: {  	s13 =	sshrl.u32 @!p1 s13, $0xA  }
0x25: {  	s13 =	smul.u32 @!p1 $0x32000, s13;
	_ =	sdelay $0x1  }
0x26: {  	s31 =	sadd.s32 $0xFFFFFFFF, s10;
	s14 =	sxor.u32 @!p1 $0xFFFFFFFF, s10;
	s12 =	ssub.s32 @!p1 s12, s13  }
0x27: {  	s15 =	simm.s32 @!p1 $0x80;
	s14 =	sshll.u32 @!p1 s14, $0xD;
	s12 =	sshll.u32 @!p1 s12, $0x4  }
0x28: {  	s13 =	sand.u32 @!p1 $0x2000, s14;
	s14 =	simm.s32 @!p1 $0x40;
	s12 =	sadd.s32 @!p1 s4, s12  }
0x29: {  	[tilespmem:s13], [sflag:$0x1] =	stream.strided.gather @!p1 [hbm4b:s12+s14], $0x2000, s15, s14, $0x38;
	[tilespmem:$0x8080] =	vst v63  }
0x2a: {  	p1 =	sge.u32 s31, s6  }
.Ltmp2:
0x2b: {  	_ = 	snop;
	(pc) =	sbr.rel @p1 .LBB1_5-.Ltmp2, $1  }
0x2c: {  	_ =	sdelay $0x3  }
0x2d: {  	s12 =	simm.s32 $0x1  }
0x2e: {  	_ =	swait.ge [sflag:s5], $0x2000;
	s12 =	simm.s32 @!p0 $0x0  }
0x2f: {  	[sflag:s5] =	ssyncset.done $0x0;
	s13 =	sshll.u32 s12, $0xD  }
0x30: {  	[sflag:s5] =	ssyncadd.s32 $0xFFFFE000;
	s16 =	sor.u32 $0x20, s13  }
0x31: {  	s12 =	smul.u32 $0x8100, s12;
	v3 =	vld [tilespmem:s16+$0x10]  }
0x32: {  	s30 =	sand.u32 $0x1, s10;
	v2 =	vld [tilespmem:s16+$0xFFFFFFF0]  }
0x33: {  	s13 =	smul.u32 $0x8100, s30;
	s12 =	sshrl.u32 s12, $0x2;
	v0 =	vld [tilespmem:s16+$0x0]  }
0x34: {  	v1 =	vld [tilespmem:s16+$0xFFFFFFE0];
	s14 =	sor.u32 $0x4000, s12  }
0x35: {  	s31 =	sshrl.u32 s13, $0x2;
	s13 =	sadd.s32 $0x0, s14  }
0x36: {  	s15 =	simm.s32 $0x4;
	s16 =	sadd.s32 $0x40, s16;
	s12 =	sor.u32 $0x4000, s31;
	[tilespmem:s13+$0x1830 ss:$0x81] =	vst.msk $0xffff, v3  }
.LBB1_3:
0x37: {  	v3 =	vld [tilespmem:s16+$0x10];
	p1 =	sne.s32 s15, $0x1FC;
	[tilespmem:s13+$0x810 ss:$0x81] =	vst.msk $0xffff, v2;
	s17 =	smov.u32 s15;
	s15 =	sadd.s32 $0x4, s15  }
.Ltmp3:
0x38: {  	v2 =	vld [tilespmem:s16+$0xFFFFFFF0];
	[tilespmem:s13+$0x1020 ss:$0x81] =	vst.msk $0xffff, v0;
	(pc) =	sbr.rel @p1 .LBB1_3-.Ltmp3, $4  }
0x39: {  	v0 =	vld [tilespmem:s16+$0x0];
	[tilespmem:s13+$0x0 ss:$0x81] =	vst.msk $0xffff, v1  }
0x3a: {  	s13 =	sshra.s32 s17, $0x2;
	v1 =	vld [tilespmem:s16+$0xFFFFFFE0]  }
0x3b: {  	s13 =	sadd.s32 s13, s14  }
0x3c: {  	s16 =	sadd.s32 $0x40, s16;
	[tilespmem:s13+$0x1830 ss:$0x81] =	vst.msk $0xffff, v3  }
.Ltmp4:
0x3d: {  	_ = 	snop;
	(pc) =	sbr.rel .LBB1_4-.Ltmp4, $1  }
0x3e: {  	_ =	sdelay $0x3  }
.LBB1_6:
0x3f: {  	_ =	sfence.sel $0x180000  }
0x40: {  	s2 =	simm.s32 $0x1;
	[bflag:$0x0] =	sbarrier.arrive $0xFFFF  }
0x41: {  	s31 =	simm.s32 $0x2;
	[sflag:s2] =	ssyncpa.u1 $0x1  }
0x42: {  	[sflag:s31] =	ssyncpa.u1 $0x1  }
0x43: {  	p0 =	sne.s32 s0, $0x0;
	_ =	strace $0x9000004A  }
0x44: {  	s0 =	sadd.s32 @!p0 $0x100000, s1;
	[bflag:$0x2] =	sbarrier.arrive $0xFFFF  }
0x45: {  	[sflag:s0] =	ssyncadd.tile.s32 @!p0 $0x1;
	_ =	shalt  }
.Lfunc_end1:
_tile_overlayer_lowered:
.L_overlay_start_2:
0x46: {  	(tag) =	ssettag $0x2  }
0x47: {  	s0 =	rddreg [dreg:$0x0];
	s2 =	stileid.u32  }
0x48: {  	s1 =	rddreg [dreg:$0x1];
	p0 =	sne.s32 s2, $0x0  }
0x49: {  	s3 =	rddreg [dreg:$0x2];
	[bflag:$0x3] =	sbarrier.arrive $0xFFFF;
	s2 =	simm.s32 @!p0 $0x1C01  }
0x4a: {  	[timem:s3], [sflag:s2] =	dma.local @!p0 [hbm:s0], s1  }
0x4b: {  	s0 =	simm.s32 @!p0 $0x1  }
0x4c: {  	_ =	swait.ge @!p0 [sflag:s0], s1  }
0x4d: {  	s1 =	ssub.s32 @!p0 $0x0, s1;
	[sflag:s0] =	ssyncset.done @!p0 $0x0  }
0x4e: {  	[sflag:s0] =	ssyncadd.s32 @!p0 s1  }
0x4f: {  	[bflag:$0x3] =	sbarrier.arrive $0xFFFF  }
0x50: {  	_ =	shalt  }

</sc_bundles>
